<compile_context>
chip_gen: v7x
topology: tpu7x:2x2x1
jax: 0.10.2.dev20260603
libtpu: 0.0.44.dev20260713+nightly
codegen_flags: <defaults>
</compile_context>

<pallas_src>
import functools

import jax
import jax.numpy as jnp
from jax import lax
from jax.experimental import pallas as pl
from jax.experimental.pallas import tpu as pltpu
from jax.experimental.pallas import tpu_sc as plsc

N = 4096
_NW = 32
_WROWS = N // _NW


def _sc_mesh():
    return plsc.VectorSubcoreMesh(core_axis_name="c", subcore_axis_name="s")


def _sc_wid():
    return lax.axis_index("s") * 2 + lax.axis_index("c")



def _tnet_p1_body(pc_ref, w1_ref, b1_ref, w2_ref, o_ref):
    i = pl.program_id(0)
    x = jnp.maximum(pc_ref[...] @ w1_ref[...] + b1_ref[...], 0.0)
    y = lax.dot_general(x, w2_ref[...], (((1,), (0,)), ((), ())),
                        preferred_element_type=jnp.float32)
    m = jnp.max(y, axis=0, keepdims=True)

    @pl.when(i == 0)
    def _():
        o_ref[...] = jnp.full_like(o_ref, -jnp.inf)

    o_ref[...] = jnp.maximum(o_ref[...], m)


def _tnet_p1(pc, w1, b1, w2):
    R = 512
    return pl.pallas_call(
        _tnet_p1_body,
        grid=(N // R,),
        in_specs=[
            pl.BlockSpec((R, 3), lambda i: (i, 0)),
            pl.BlockSpec((3, 64), lambda i: (0, 0)),
            pl.BlockSpec((1, 64), lambda i: (0, 0)),
            pl.BlockSpec((64, 1024), lambda i: (0, 0)),
        ],
        out_specs=pl.BlockSpec((1, 1024), lambda i: (0, 0)),
        out_shape=jax.ShapeDtypeStruct((1, 1024), jnp.float32),
    )(pc, w1, b1[None, :], w2)


def _qr3x3(a9):
    one = jnp.ones((1, 1), jnp.float32)
    zero = jnp.zeros((1, 1), jnp.float32)
    A = [[a9[:, 3 * i + j:3 * i + j + 1] for j in range(3)] for i in range(3)]
    Q = [[one if i == j else zero for j in range(3)] for i in range(3)]
    for k in range(2):
        alpha = A[k][k]
        sigma = zero
        for i in range(k + 1, 3):
            sigma = sigma + A[i][k] * A[i][k]
        mu = jnp.sqrt(alpha * alpha + sigma)
        nz = sigma > 0.0
        sgn = jnp.where(alpha >= 0.0, 1.0, -1.0)
        beta = jnp.where(nz, -sgn * mu, alpha)
        tau = jnp.where(nz, (beta - alpha) / jnp.where(nz, beta, 1.0), 0.0)
        inv = jnp.where(nz, 1.0 / jnp.where(nz, alpha - beta, 1.0), 0.0)
        v = [zero, zero, zero]
        v[k] = one
        for i in range(k + 1, 3):
            v[i] = A[i][k] * inv
        for j in range(k, 3):
            w = zero
            for i in range(k, 3):
                w = w + v[i] * A[i][j]
            for i in range(k, 3):
                A[i][j] = A[i][j] - tau * v[i] * w
        A[k][k] = beta
        for i in range(k + 1, 3):
            A[i][k] = zero
        for i in range(3):
            u = zero
            for j in range(k, 3):
                u = u + Q[i][j] * v[j]
            for j in range(k, 3):
                Q[i][j] = Q[i][j] - tau * u * v[j]
    R_ = [[A[i][j] if j >= i else zero for j in range(3)] for i in range(3)]
    return Q, R_


def _tnet_head_body(hg_ref, b2_ref, w3_ref, b3_ref, w4_ref, b4_ref,
                    t_ref, r_ref):
    x = jnp.maximum((hg_ref[...] + b2_ref[...]) @ w3_ref[...] + b3_ref[...],
                    0.0)
    a9 = x @ w4_ref[...] + b4_ref[...]
    Q, R_ = _qr3x3(a9)
    for i in range(3):
        for j in range(3):
            t_ref[i:i + 1, j:j + 1] = Q[i][j]
            r_ref[i:i + 1, j:j + 1] = R_[i][j]


def _tnet_head(hgmax, b2, w3, b3, w4, b4):
    return pl.pallas_call(
        _tnet_head_body,
        out_shape=(jax.ShapeDtypeStruct((3, 3), jnp.float32),
                   jax.ShapeDtypeStruct((3, 3), jnp.float32)),
    )(hgmax, b2[None, :], w3, b3[None, :], w4, b4[None, :])


def _apply_t_body(pc_ref, t_ref, o_ref):
    o_ref[...] = pc_ref[...] @ t_ref[...]


def _apply_t(pc, t):
    R = 512
    return pl.pallas_call(
        _apply_t_body,
        grid=(N // R,),
        in_specs=[pl.BlockSpec((R, 3), lambda i: (i, 0)),
                  pl.BlockSpec((3, 3), lambda i: (0, 0))],
        out_specs=pl.BlockSpec((R, 3), lambda i: (i, 0)),
        out_shape=jax.ShapeDtypeStruct((N, 3), jnp.float32),
    )(pc, t)


def _sqsum_body(x_ref, o_ref):
    x = x_ref[...]
    o_ref[...] = jnp.sum(x * x, axis=1, keepdims=True)


def _sqsum(x):
    R = 512
    D = x.shape[1]
    return pl.pallas_call(
        _sqsum_body,
        grid=(N // R,),
        in_specs=[pl.BlockSpec((R, D), lambda i: (i, 0))],
        out_specs=pl.BlockSpec((R, 1), lambda i: (i, 0)),
        out_shape=jax.ShapeDtypeStruct((N, 1), jnp.float32),
    )(x)


def _make_knn_body(D, K, R):
    def body(xb_ref, x_ref, sqb_ref, sqr_ref, o_ref, s_ref):
        xb = xb_ref[...]
        xa = x_ref[...]
        mm = lax.dot_general(xb, xa, (((1,), (1,)), ((), ())),
                             preferred_element_type=jnp.float32)
        s_ref[...] = (sqb_ref[...] + sqr_ref[...]) - 2.0 * mm
        it = lax.broadcasted_iota(jnp.int32, (R, N), 1)
        for j in range(K):
            s = s_ref[...]
            m = jnp.min(s, axis=1, keepdims=True)
            cand = jnp.where(s <= m, it, N)
            idx = jnp.min(cand, axis=1, keepdims=True)
            o_ref[:, j:j + 1] = idx
            s_ref[...] = jnp.where(it == idx, 1e30, s)
    return body


def _knn(x, K, R=256):
    D = x.shape[1]
    sq = _sqsum(x)
    sq_row = sq.reshape(1, N)
    return pl.pallas_call(
        _make_knn_body(D, K, R),
        grid=(N // R,),
        in_specs=[pl.BlockSpec((R, D), lambda i: (i, 0)),
                  pl.BlockSpec((N, D), lambda i: (0, 0)),
                  pl.BlockSpec((R, 1), lambda i: (i, 0)),
                  pl.BlockSpec((1, N), lambda i: (0, 0))],
        out_specs=pl.BlockSpec((R, K), lambda i: (i, 0)),
        out_shape=jax.ShapeDtypeStruct((N, K), jnp.int32),
        scratch_shapes=[pltpu.VMEM((R, N), jnp.float32)],
    )(x, x, sq, sq_row)


def _conv_out_body(a_ref, w_ref, b_ref, o_ref):
    y = lax.dot_general(a_ref[...], w_ref[...], (((1,), (0,)), ((), ())),
                        preferred_element_type=jnp.float32)
    o_ref[...] = y + b_ref[...]


def _conv_out(agg, W, b):
    R = 512
    Din, Dout = W.shape
    return pl.pallas_call(
        _conv_out_body,
        grid=(N // R,),
        in_specs=[pl.BlockSpec((R, Din), lambda i: (i, 0)),
                  pl.BlockSpec((Din, Dout), lambda i: (0, 0)),
                  pl.BlockSpec((1, Dout), lambda i: (0, 0))],
        out_specs=pl.BlockSpec((R, Dout), lambda i: (i, 0)),
        out_shape=jax.ShapeDtypeStruct((N, Dout), jnp.float32),
    )(agg, W, b[None, :])


def _mm_rowmax_body(a_ref, w_ref, b_ref, o_ref):
    i = pl.program_id(0)
    y = lax.dot_general(a_ref[...], w_ref[...], (((1,), (0,)), ((), ())),
                        preferred_element_type=jnp.float32)
    m = jnp.max(y, axis=0, keepdims=True)

    @pl.when(i == 0)
    def _():
        o_ref[...] = jnp.full_like(o_ref, -jnp.inf)

    o_ref[...] = jnp.maximum(o_ref[...], m)

    @pl.when(i == pl.num_programs(0) - 1)
    def _():
        o_ref[...] = o_ref[...] + b_ref[...]


def _mm_rowmax(a, W, b):
    R = 512
    Din, Dout = W.shape
    return pl.pallas_call(
        _mm_rowmax_body,
        grid=(N // R,),
        in_specs=[pl.BlockSpec((R, Din), lambda i: (i, 0)),
                  pl.BlockSpec((Din, Dout), lambda i: (0, 0)),
                  pl.BlockSpec((1, Dout), lambda i: (0, 0))],
        out_specs=pl.BlockSpec((1, Dout), lambda i: (0, 0)),
        out_shape=jax.ShapeDtypeStruct((1, Dout), jnp.float32),
    )(a, W, b[None, :])


def _gat_pre_body(ha_ref, hb_ref, wa_ref, wb_ref, hgl_ref, o_ref):
    ya = lax.dot_general(ha_ref[...], wa_ref[...], (((1,), (0,)), ((), ())),
                         preferred_element_type=jnp.float32)
    yb = lax.dot_general(hb_ref[...], wb_ref[...], (((1,), (0,)), ((), ())),
                         preferred_element_type=jnp.float32)
    o_ref[...] = ya + yb + hgl_ref[...]


def _gat_pre(ha, hb, wa, wb, hgl):
    R = 512
    return pl.pallas_call(
        _gat_pre_body,
        grid=(N // R,),
        in_specs=[pl.BlockSpec((R, 192), lambda i: (i, 0)),
                  pl.BlockSpec((R, 192), lambda i: (i, 0)),
                  pl.BlockSpec((192, 1024), lambda i: (0, 0)),
                  pl.BlockSpec((192, 1024), lambda i: (0, 0)),
                  pl.BlockSpec((1, 1024), lambda i: (0, 0))],
        out_specs=pl.BlockSpec((R, 1024), lambda i: (i, 0)),
        out_shape=jax.ShapeDtypeStruct((N, 1024), jnp.float32),
    )(ha, hb, wa, wb, hgl)


def _vecmm_body(a_ref, w_ref, o_ref):
    o_ref[...] = a_ref[...] @ w_ref[...]


def _vecmm(a, W):
    Din, Dout = W.shape
    return pl.pallas_call(
        _vecmm_body,
        out_shape=jax.ShapeDtypeStruct((1, Dout), jnp.float32),
    )(a, W)


def _rowmax_body(a_ref, o_ref):
    i = pl.program_id(0)
    m = jnp.max(a_ref[...], axis=0, keepdims=True)

    @pl.when(i == 0)
    def _():
        o_ref[...] = jnp.full_like(o_ref, -jnp.inf)

    o_ref[...] = jnp.maximum(o_ref[...], m)


def _rowmax(a):
    R = 512
    D = a.shape[1]
    return pl.pallas_call(
        _rowmax_body,
        grid=(N // R,),
        in_specs=[pl.BlockSpec((R, D), lambda i: (i, 0))],
        out_specs=pl.BlockSpec((1, D), lambda i: (0, 0)),
        out_shape=jax.ShapeDtypeStruct((1, D), jnp.float32),
    )(a)


def _head_body(h_ref, gb_ref, w1_ref, b1_ref, w2_ref, b2_ref, w3_ref, b3_ref,
               o_ref):
    h = h_ref[...] + gb_ref[...]
    h = jnp.maximum(h @ w1_ref[...] + b1_ref[...], 0.0)
    h = jnp.maximum(h @ w2_ref[...] + b2_ref[...], 0.0)
    o_ref[...] = h @ w3_ref[...] + b3_ref[...]


def _head(hmax, gat_bias, w1, b1, w2, b2, w3, b3):
    return pl.pallas_call(
        _head_body,
        out_shape=jax.ShapeDtypeStruct((1, 40), jnp.float32),
    )(hmax, gat_bias[None, :], w1, b1[None, :], w2, b2[None, :], w3,
      b3[None, :])



def _sc_degree(idx):
    k = idx.shape[1]
    E = N * k
    CH = 16
    nchunk = E // (CH * 128)

    @functools.partial(
        pl.kernel,
        out_type=jax.ShapeDtypeStruct((N,), jnp.float32),
        mesh=_sc_mesh(),
        scratch_types=[pltpu.VMEM((CH, 128), jnp.int32),
                       pltpu.VMEM((16 * _WROWS,), jnp.float32),
                       pltpu.VMEM((_WROWS,), jnp.float32)],
        compiler_params=pltpu.CompilerParams(needs_layout_passes=False),
    )
    def kfn(idx_hbm, out_hbm, idx_v, hist_v, deg_v):
        wid = _sc_wid()
        lo = wid * _WROWS
        lane_off = lax.iota(jnp.int32, 16) * _WROWS
        ones = jnp.ones((16,), jnp.float32)
        zeros = jnp.zeros((16,), jnp.float32)
        for c8 in range(16 * _WROWS // 16):
            hist_v[pl.ds(c8 * 16, 16)] = zeros

        def chunk(c, carry):
            pltpu.sync_copy(idx_hbm.at[pl.ds(c * CH, CH)], idx_v)
            for rr in range(CH):
                for g in range(8):
                    iv = idx_v[rr, pl.ds(g * 16, 16)]
                    local = iv - lo
                    mask = (local >= 0) & (local < _WROWS)
                    local = jnp.where(mask, local, 0) + lane_off
                    plsc.addupdate_scatter(hist_v, [local], ones, mask=mask)
            return carry

        lax.fori_loop(0, nchunk, chunk, 0)
        for c8 in range(_WROWS // 16):
            sl = pl.ds(c8 * 16, 16)
            acc = hist_v[sl]
            for l in range(1, 16):
                acc = acc + hist_v[pl.ds(l * _WROWS + c8 * 16, 16)]
            deg_v[sl] = jnp.maximum(acc, 1.0)
        pltpu.sync_copy(deg_v, out_hbm.at[pl.ds(lo, _WROWS)])

    deg = kfn(idx.reshape(E // 128, 128))
    return deg[:, None]


def _sc_gather_sum(h, idx):
    n_, k = idx.shape
    D = h.shape[1]
    Dp = 16 if D <= 16 else 64
    if D != Dp:
        h = jnp.pad(h, ((0, 0), (0, Dp - D)))
    ksum = k
    if k == 50:
        pad = (jnp.arange(N, dtype=jnp.int32)[:, None]
               + jnp.arange(1, 15, dtype=jnp.int32)[None, :]) % N
        idx = jnp.concatenate([idx, pad], axis=1)
        k = 64
    RC = 32 if k == 20 else 16
    G = RC * k // 128
    out = _sc_gather_sum_call(h, idx.reshape(-1), k, ksum, Dp, RC, G)
    return out[:, :D] if D != Dp else out


@functools.partial(jax.jit, static_argnums=(2, 3, 4, 5, 6))
def _sc_gather_sum_call(h, idx2, k, ksum, Dp, RC, G):
    @functools.partial(
        pl.kernel,
        out_type=jax.ShapeDtypeStruct((N, Dp), jnp.float32),
        mesh=_sc_mesh(),
        scratch_types=[pltpu.VMEM((G * 128,), jnp.int32),
                       pltpu.VMEM((RC * k, Dp), jnp.float32),
                       pltpu.VMEM((RC, Dp), jnp.float32),
                       pltpu.SemaphoreType.DMA],
        compiler_params=pltpu.CompilerParams(needs_layout_passes=False,
                                             use_tc_tiling_on_sc=False),
    )
    def kfn(h_hbm, idx_hbm, out_hbm, idx_v, rows_v, out_v, sem):
        wid = _sc_wid()
        base = wid * _WROWS

        def chunk(c, carry):
            r0 = base + c * RC
            pltpu.sync_copy(idx_hbm.at[pl.ds(r0 * k, G * 128)], idx_v)
            copies = [pltpu.async_copy(h_hbm.at[idx_v.at[pl.ds(g * 128, 128)]],
                                       rows_v.at[pl.ds(g * 128, 128)], sem)
                      for g in range(G)]
            for cp in copies:
                cp.wait()

            def row(r, rcarry):
                for d in range(Dp // 16):
                    sl = pl.ds(d * 16, 16)
                    acc = rows_v[r * k, sl]
                    for j in range(1, ksum):
                        acc = acc + rows_v[r * k + j, sl]
                    out_v[r, sl] = acc
                return rcarry

            lax.fori_loop(0, RC, row, 0)
            pltpu.sync_copy(out_v, out_hbm.at[pl.ds(r0, RC)])
            return carry

        lax.fori_loop(0, _WROWS // RC, chunk, 0)

    return kfn(h, idx2)


def _sc_gat_edge(fs, fd, idx, attn):
    k = idx.shape[1]
    RC = 4

    @functools.partial(
        pl.kernel,
        out_type=jax.ShapeDtypeStruct((N, 1024), jnp.float32),
        mesh=_sc_mesh(),
        scratch_types=[pltpu.VMEM((RC * k,), jnp.int32),
                       pltpu.VMEM((RC * k, 1024), jnp.float32),
                       pltpu.VMEM((RC, 1024), jnp.float32),
                       pltpu.VMEM((RC, 1024), jnp.float32),
                       pltpu.VMEM((1024,), jnp.float32),
                       pltpu.VMEM((k, 16), jnp.float32),
                       pltpu.VMEM((k, 16), jnp.float32),
                       pltpu.SemaphoreType.DMA],
        compiler_params=pltpu.CompilerParams(needs_layout_passes=False,
                                             use_tc_tiling_on_sc=False),
    )
    def kfn(fs_hbm, fd_hbm, idx_hbm, attn_hbm, out_hbm,
            idx_v, rows_v, fd_v, out_v, attn_v, log_v, al_v, sem):
        wid = _sc_wid()
        base = wid * _WROWS
        pltpu.sync_copy(attn_hbm, attn_v)

        def chunk(c, carry):
            r0 = base + c * RC
            pltpu.sync_copy(idx_hbm.at[pl.ds(r0 * k, RC * k)], idx_v)
            pltpu.async_copy(fs_hbm.at[idx_v], rows_v, sem).wait()
            pltpu.sync_copy(fd_hbm.at[pl.ds(r0, RC)], fd_v)
            for r in range(RC):
                def lj(j, jcarry):
                    row = r * k + j
                    lv = jnp.zeros((16,), jnp.float32)
                    for h in range(4):
                        acc = jnp.zeros((16,), jnp.float32)
                        for dd in range(16):
                            sl = pl.ds(h * 256 + dd * 16, 16)
                            v = rows_v[row, sl] + fd_v[r, sl]
                            v = jnp.maximum(v, 0.2 * v)
                            acc = acc + v * attn_v[sl]
                        oh = (lax.iota(jnp.int32, 16) == h)
                        lv = lv + jnp.where(oh, jnp.sum(acc), 0.0)
                    log_v[j] = lv
                    return jcarry

                lax.fori_loop(0, k, lj, 0)

                m = lax.fori_loop(
                    0, k, lambda j, m_: jnp.maximum(m_, log_v[j]),
                    jnp.full((16,), -jnp.inf, jnp.float32))

                def ej(j, ssum):
                    ex = jnp.exp(log_v[j] - m)
                    al_v[j] = ex
                    return ssum + ex

                ssum = lax.fori_loop(0, k, ej, jnp.zeros((16,), jnp.float32))
                denom = ssum + 1e-9

                def aj(j, jcarry):
                    al_v[j] = al_v[j] / denom
                    return jcarry

                lax.fori_loop(0, k, aj, 0)

                for h in range(4):
                    def wj(j, accs):
                        row = r * k + j
                        a = jnp.full((16,), al_v[j][h])
                        return tuple(
                            accs[dd]
                            + a * rows_v[row, pl.ds(h * 256 + dd * 16, 16)]
                            for dd in range(16))

                    accs = lax.fori_loop(
                        0, k, wj,
                        tuple(jnp.zeros((16,), jnp.float32)
                              for _ in range(16)))
                    for dd in range(16):
                        out_v[r, pl.ds(h * 256 + dd * 16, 16)] = accs[dd]
            pltpu.sync_copy(out_v, out_hbm.at[pl.ds(r0, RC)])
            return carry

        lax.fori_loop(0, _WROWS // RC, chunk, 0)

    return kfn(fs, fd, idx.reshape(-1), attn.reshape(-1))



def _graph_conv(x, idx, W, b, k, deg):
    h = x * deg ** -0.5
    agg = _sc_gather_sum(h, idx)
    agg = agg * jnp.full((N, 1), float(k), jnp.float32) ** -0.5
    return _conv_out(agg, W, b)


def kernel(pointcloud, params):
    pc, p = pointcloud, params

    hgmax = _tnet_p1(pc, p['t1_w'], p['t1_b'], p['t2_w'])
    t, r = _tnet_head(hgmax, p['t2_b'], p['t3_w'], p['t3_b'], p['t4_w'],
                      p['t4_b'])
    x = _apply_t(pc, t)

    idx0 = _knn(x, 20)
    idxxy = _knn(x[:, :2], 20)
    idxyz = _knn(x[:, 1:], 20)
    idxxz = _knn(jnp.concatenate([x[:, :1], x[:, 2:]], axis=1), 20)

    deg0 = _sc_degree(idx0)
    h0 = _graph_conv(x, idx0, p['g1_w'], p['g1_b'], 20, deg0)
    h0 = _graph_conv(h0, idx0, p['g2_w'], p['g2_b'], 20, deg0)
    idx1 = _knn(h0, 20)
    deg1 = _sc_degree(idx1)
    h1 = _graph_conv(h0, idx1, p['g3_w'], p['g3_b'], 20, deg1)
    h1 = _graph_conv(h1, idx1, p['g4_w'], p['g4_b'], 20, deg1)
    idx2 = _knn(h1, 20)
    deg2 = _sc_degree(idx2)
    h2 = _graph_conv(h1, idx2, p['g5_w'], p['g5_b'], 20, deg2)

    h012 = jnp.concatenate([h0, h1, h2], axis=1)
    hg = _mm_rowmax(h012, p['fc0_w'], p['fc0_b'])

    def branch(idxp, w1, b1, w2, b2):
        degp = _sc_degree(idxp)
        hp = _graph_conv(x, idxp, w1, b1, 20, degp)
        idxq = _knn(hp, 50)
        degq = _sc_degree(idxq)
        return _graph_conv(hp, idxq, w2, b2, 50, degq)

    hxy = branch(idxxy, p['gxy1_w'], p['gxy1_b'], p['gxy2_w'], p['gxy2_b'])
    hyz = branch(idxyz, p['gyz1_w'], p['gyz1_b'], p['gyz2_w'], p['gyz2_b'])
    hxz = branch(idxxz, p['gxz1_w'], p['gxz1_b'], p['gxz2_w'], p['gxz2_b'])

    hside = jnp.concatenate([hxy, hyz, hxz], axis=1)

    wl, wr = p['gat_wl'], p['gat_wr']
    hgl = _vecmm(hg, jnp.concatenate([wl[192:1216], wr[192:1216]], axis=1))
    fs = _gat_pre(h012, hside, wl[:192], wl[1216:], hgl[:, :1024])
    fd = _gat_pre(h012, hside, wr[:192], wr[1216:], hgl[:, 1024:])

    gat = _sc_gat_edge(fs, fd, idx0, p['gat_attn'])

    hmax = _rowmax(gat)
    out = _head(hmax, p['gat_bias'], p['fc1_w'], p['fc1_b'], p['fc2_w'],
                p['fc2_b'], p['fc3_w'], p['fc3_b'])
    return out, r

# --- scband reference (transcript-rebuilt; emitter-appended) ---
"""Pipeline reference for scband-amgcn-cls-graph-conv-146028888441 (READ-ONLY COPY).

The authoritative reference and input builder live on the scoring server;
editing this copy changes nothing except your own understanding.
"""

import jax, jax.numpy as jnp
import numpy as np

N = 4096
CLS = 40

def _w(key, shape, scale):
    return (jax.random.normal(key, shape) * scale).astype(jnp.float32)

def setup_inputs(seed: int = 0):
    key = jax.random.key(seed)
    ks = iter(jax.random.split(key, 64))
    pc = jax.random.normal(next(ks), (N, 3), dtype=jnp.float32)
    p = {}
    def lin(name, i, o):
        s = (2.0 / (i + o)) ** 0.5
        p[name + '_w'] = _w(next(ks), (i, o), s)
        p[name + '_b'] = jnp.zeros((o,), jnp.float32)
    lin('t1', 3, 64); lin('t2', 64, 1024); lin('t3', 1024, 256); lin('t4', 256, 9)
    lin('g1', 3, 64); lin('g2', 64, 64); lin('g3', 64, 64); lin('g4', 64, 64); lin('g5', 64, 64)
    lin('gxy1', 3, 16); lin('gxy2', 16, 64)
    lin('gyz1', 3, 16); lin('gyz2', 16, 64)
    lin('gxz1', 3, 16); lin('gxz2', 16, 64)
    lin('fc0', 192, 1024)
    lin('fc1', 1024, 256); lin('fc2', 256, 64); lin('fc3', 64, CLS)
    p['gat_wl'] = _w(next(ks), (1408, 1024), 0.03)
    p['gat_wr'] = _w(next(ks), (1408, 1024), 0.03)
    p['gat_attn'] = _w(next(ks), (4, 256), 0.06)
    p['gat_bias'] = jnp.zeros((1024,), jnp.float32)
    return {"pointcloud": pc, "params": p}

def knn_edges(x, k):
    sq = jnp.sum(x * x, axis=1)
    d = sq[:, None] + sq[None, :] - 2.0 * (x @ x.T)
    idx = jax.lax.top_k(-d, k)[1]
    n = x.shape[0]
    src = idx.reshape(-1)
    dst = jnp.repeat(jnp.arange(n), k)
    return src, dst

def graph_conv(x, src, dst, W, b):
    n = x.shape[0]
    deg_out = jnp.clip(jnp.bincount(src, length=n), 1).astype(x.dtype)
    deg_in = jnp.clip(jnp.bincount(dst, length=n), 1).astype(x.dtype)
    h = x * deg_out[:, None] ** -0.5
    agg = jax.ops.segment_sum(h[src], dst, num_segments=n)
    agg = agg * deg_in[:, None] ** -0.5
    return agg @ W + b

def gatv2(x, src, dst, p):
    n = x.shape[0]
    fs = (x @ p['gat_wl']).reshape(n, 4, 256)
    fd = (x @ p['gat_wr']).reshape(n, 4, 256)
    e = jax.nn.leaky_relu(fs[src] + fd[dst], 0.2)
    logits = jnp.sum(e * p['gat_attn'][None, :, :], axis=-1)
    m = jax.ops.segment_max(logits, dst, num_segments=n)
    ex = jnp.exp(logits - m[dst])
    s = jax.ops.segment_sum(ex, dst, num_segments=n)
    alpha = ex / (s[dst] + 1e-9)
    out = jax.ops.segment_sum(fs[src] * alpha[..., None], dst, num_segments=n)
    return out.reshape(n, -1) + p['gat_bias']

def tnet(pc, p):
    x = jax.nn.relu(pc @ p['t1_w'] + p['t1_b'])
    x = x @ p['t2_w'] + p['t2_b']
    x = jnp.max(x, axis=0, keepdims=True)
    x = jax.nn.relu(x @ p['t3_w'] + p['t3_b'])
    x = (x @ p['t4_w'] + p['t4_b']).reshape(3, 3)
    q, r = jnp.linalg.qr(x)
    return q, r

def _forward(pc, p):
    t, r = tnet(pc, p)
    x = pc @ t
    src0, dst0 = knn_edges(x, 20)
    sxy, dxy = knn_edges(x[:, jnp.array([0, 1])], 20)
    syz, dyz = knn_edges(x[:, jnp.array([1, 2])], 20)
    sxz, dxz = knn_edges(x[:, jnp.array([0, 2])], 20)
    h0 = graph_conv(x, src0, dst0, p['g1_w'], p['g1_b'])
    h0 = graph_conv(h0, src0, dst0, p['g2_w'], p['g2_b'])
    s0, d0 = knn_edges(h0, 20)
    h1 = graph_conv(h0, s0, d0, p['g3_w'], p['g3_b'])
    h1 = graph_conv(h1, s0, d0, p['g4_w'], p['g4_b'])
    s1, d1 = knn_edges(h1, 20)
    h2 = graph_conv(h1, s1, d1, p['g5_w'], p['g5_b'])
    h = jnp.concatenate([h0, h1, h2], axis=1)
    hg = h @ p['fc0_w'] + p['fc0_b']
    hg = jnp.max(hg, axis=0, keepdims=True)
    hg = jnp.tile(hg, (x.shape[0], 1))
    hxy = graph_conv(x, sxy, dxy, p['gxy1_w'], p['gxy1_b'])
    s, d = knn_edges(hxy, 50)
    hxy = graph_conv(hxy, s, d, p['gxy2_w'], p['gxy2_b'])
    hyz = graph_conv(x, syz, dyz, p['gyz1_w'], p['gyz1_b'])
    s, d = knn_edges(hyz, 50)
    hyz = graph_conv(hyz, s, d, p['gyz2_w'], p['gyz2_b'])
    hxz = graph_conv(x, sxz, dxz, p['gxz1_w'], p['gxz1_b'])
    s, d = knn_edges(hxz, 50)
    hxz = graph_conv(hxz, s, d, p['gxz2_w'], p['gxz2_b'])
    h = jnp.concatenate([h, hg, hxy, hyz, hxz], axis=1)
    h = gatv2(h, src0, dst0, p)
    h = jnp.max(h, axis=0, keepdims=True)
    h = jax.nn.relu(h @ p['fc1_w'] + p['fc1_b'])
    h = jax.nn.relu(h @ p['fc2_w'] + p['fc2_b'])
    h = h @ p['fc3_w'] + p['fc3_b']
    return h, r

def reference(pointcloud, params):
    return _forward(pointcloud, params)

if __name__ == "__main__":
    import jax
    _d = setup_inputs()
    print(jax.jit(kernel)(*tuple(_d.values())))

</pallas_src>

<mosaic_0001>
#map = affine_map<(d0, d1) -> (0, 0)>
#map1 = affine_map<(d0, d1) -> (0)>
module attributes {stable_mosaic.version = 14 : i64} {
  func.func @kfn(%arg0: i32, %arg1: i32, %arg2: memref<4096x16xf32, #tpu.memory_space<hbm>>, %arg3: memref<81920xi32, #tpu.memory_space<hbm>>, %arg4: memref<4096x16xf32, #tpu.memory_space<hbm>>, %arg5: memref<640xi32, #tpu.memory_space<vmem>>, %arg6: memref<640x16xf32, #tpu.memory_space<vmem>>, %arg7: memref<32x16xf32, #tpu.memory_space<vmem>>, %arg8: memref<!tpu.dma_semaphore, #tpu.memory_space<semaphore_mem>>) attributes {dimension_semantics = [#tpu.dimension_semantics<core_parallel>, #tpu.dimension_semantics<subcore_parallel>], iteration_bounds = array<i64: 2, 16>, scalar_prefetch = 0 : i64, scratch_operands = 4 : i64, tpu.core_type = #tpu.core_type<sc_vector_subcore>, window_params = [{transform_indices = #map}, {transform_indices = #map1}, {transform_indices = #map}]} {
    %mul3A = arith.constant 2 : i32
    %mul3A_0 = arith.muli %arg1, %mul3A : i32
    %add3A = arith.addi %mul3A_0, %arg0 : i32
    %mul3A_1 = arith.constant 128 : i32
    %mul3A_2 = arith.muli %add3A, %mul3A_1 : i32
    %scan3A = arith.constant 0 : i32
    %scan3A_3 = arith.constant 0 : i32
    %scan3A_4 = arith.constant 4 : i32
    %scan3A_5 = arith.addi %scan3A_3, %scan3A_4 : i32
    %scan3A_6 = arith.constant 1 : i32
    scf.for %scan3A_8 = %scan3A_3 to %scan3A_5 step %scan3A_6  : i32 {
      %mul3A_9 = arith.constant 32 : i32
      %mul3A_10 = arith.muli %scan3A_8, %mul3A_9 : i32
      %add3A_11 = arith.addi %mul3A_2, %mul3A_10 : i32
      %mul3A_12 = arith.constant 20 : i32
      %mul3A_13 = arith.muli %add3A_11, %mul3A_12 : i32
      "tpu.region"() ({
        %run_scoped3A = tpu.sem_alloc : memref<!tpu.dma_semaphore, #tpu.memory_space<semaphore_mem>>
        %dma_start3A_98 = tpu.memref_slice %arg3[%mul3A_13] : memref<81920xi32, #tpu.memory_space<hbm>> -> memref<640xi32, #tpu.memory_space<hbm>>
        %dma_start3A_99 = tpu.memref_slice %arg3[%mul3A_13] : memref<81920xi32, #tpu.memory_space<hbm>> -> memref<640xi32, #tpu.memory_space<hbm>>
        tpu.enqueue_dma source(%dma_start3A_99 : memref<640xi32, #tpu.memory_space<hbm>>) target(%arg5 : memref<640xi32, #tpu.memory_space<vmem>>) target_semaphore(%run_scoped3A : memref<!tpu.dma_semaphore, #tpu.memory_space<semaphore_mem>>)
        %dma_wait3A_100 = tpu.memref_slice %arg3[%mul3A_13] : memref<81920xi32, #tpu.memory_space<hbm>> -> memref<640xi32, #tpu.memory_space<hbm>>
        %dma_wait3A_101 = tpu.memref_slice %arg3[%mul3A_13] : memref<81920xi32, #tpu.memory_space<hbm>> -> memref<640xi32, #tpu.memory_space<hbm>>
        tpu.wait_dma2 semaphore(%run_scoped3A : memref<!tpu.dma_semaphore, #tpu.memory_space<semaphore_mem>>) src(%dma_wait3A_101 : memref<640xi32, #tpu.memory_space<hbm>>) dst(%arg5 : memref<640xi32, #tpu.memory_space<vmem>>)
        tpu.yield
      }) : () -> ()
      %dma_start3A = arith.constant 0 : i32
      %dma_start3A_14 = arith.constant 0 : i32
      %dma_start3A_15 = tpu.memref_slice %arg6[%dma_start3A, %dma_start3A_14] : memref<640x16xf32, #tpu.memory_space<vmem>> -> memref<128x16xf32, #tpu.memory_space<vmem>>
      %dma_start3A_16 = arith.constant 0 : i32
      %dma_start3A_17 = tpu.memref_slice %arg5[%dma_start3A_16] : memref<640xi32, #tpu.memory_space<vmem>> -> memref<128xi32, #tpu.memory_space<vmem>>
      %dma_start3A_18 = arith.constant 0 : i32
      %dma_start3A_19 = arith.constant 0 : i32
      %dma_start3A_20 = tpu.memref_slice %arg2[%dma_start3A_18, %dma_start3A_19] : memref<4096x16xf32, #tpu.memory_space<hbm>> -> memref<4096x16xf32, #tpu.memory_space<hbm>>
      tpu.enqueue_indirect_dma source(%dma_start3A_20 : memref<4096x16xf32, #tpu.memory_space<hbm>>) target(%dma_start3A_15 : memref<128x16xf32, #tpu.memory_space<vmem>>) offsets(%dma_start3A_17 : memref<128xi32, #tpu.memory_space<vmem>>) semaphore(%arg8 : memref<!tpu.dma_semaphore, #tpu.memory_space<semaphore_mem>>)
      %dma_start3A_21 = arith.constant 128 : i32
      %dma_start3A_22 = arith.constant 0 : i32
      %dma_start3A_23 = tpu.memref_slice %arg6[%dma_start3A_21, %dma_start3A_22] : memref<640x16xf32, #tpu.memory_space<vmem>> -> memref<128x16xf32, #tpu.memory_space<vmem>>
      %dma_start3A_24 = arith.constant 128 : i32
      %dma_start3A_25 = tpu.memref_slice %arg5[%dma_start3A_24] : memref<640xi32, #tpu.memory_space<vmem>> -> memref<128xi32, #tpu.memory_space<vmem>>
      %dma_start3A_26 = arith.constant 0 : i32
      %dma_start3A_27 = arith.constant 0 : i32
      %dma_start3A_28 = tpu.memref_slice %arg2[%dma_start3A_26, %dma_start3A_27] : memref<4096x16xf32, #tpu.memory_space<hbm>> -> memref<4096x16xf32, #tpu.memory_space<hbm>>
      tpu.enqueue_indirect_dma source(%dma_start3A_28 : memref<4096x16xf32, #tpu.memory_space<hbm>>) target(%dma_start3A_23 : memref<128x16xf32, #tpu.memory_space<vmem>>) offsets(%dma_start3A_25 : memref<128xi32, #tpu.memory_space<vmem>>) semaphore(%arg8 : memref<!tpu.dma_semaphore, #tpu.memory_space<semaphore_mem>>)
      %dma_start3A_29 = arith.constant 256 : i32
      %dma_start3A_30 = arith.constant 0 : i32
      %dma_start3A_31 = tpu.memref_slice %arg6[%dma_start3A_29, %dma_start3A_30] : memref<640x16xf32, #tpu.memory_space<vmem>> -> memref<128x16xf32, #tpu.memory_space<vmem>>
      %dma_start3A_32 = arith.constant 256 : i32
      %dma_start3A_33 = tpu.memref_slice %arg5[%dma_start3A_32] : memref<640xi32, #tpu.memory_space<vmem>> -> memref<128xi32, #tpu.memory_space<vmem>>
      %dma_start3A_34 = arith.constant 0 : i32
      %dma_start3A_35 = arith.constant 0 : i32
      %dma_start3A_36 = tpu.memref_slice %arg2[%dma_start3A_34, %dma_start3A_35] : memref<4096x16xf32, #tpu.memory_space<hbm>> -> memref<4096x16xf32, #tpu.memory_space<hbm>>
      tpu.enqueue_indirect_dma source(%dma_start3A_36 : memref<4096x16xf32, #tpu.memory_space<hbm>>) target(%dma_start3A_31 : memref<128x16xf32, #tpu.memory_space<vmem>>) offsets(%dma_start3A_33 : memref<128xi32, #tpu.memory_space<vmem>>) semaphore(%arg8 : memref<!tpu.dma_semaphore, #tpu.memory_space<semaphore_mem>>)
      %dma_start3A_37 = arith.constant 384 : i32
      %dma_start3A_38 = arith.constant 0 : i32
      %dma_start3A_39 = tpu.memref_slice %arg6[%dma_start3A_37, %dma_start3A_38] : memref<640x16xf32, #tpu.memory_space<vmem>> -> memref<128x16xf32, #tpu.memory_space<vmem>>
      %dma_start3A_40 = arith.constant 384 : i32
      %dma_start3A_41 = tpu.memref_slice %arg5[%dma_start3A_40] : memref<640xi32, #tpu.memory_space<vmem>> -> memref<128xi32, #tpu.memory_space<vmem>>
      %dma_start3A_42 = arith.constant 0 : i32
      %dma_start3A_43 = arith.constant 0 : i32
      %dma_start3A_44 = tpu.memref_slice %arg2[%dma_start3A_42, %dma_start3A_43] : memref<4096x16xf32, #tpu.memory_space<hbm>> -> memref<4096x16xf32, #tpu.memory_space<hbm>>
      tpu.enqueue_indirect_dma source(%dma_start3A_44 : memref<4096x16xf32, #tpu.memory_space<hbm>>) target(%dma_start3A_39 : memref<128x16xf32, #tpu.memory_space<vmem>>) offsets(%dma_start3A_41 : memref<128xi32, #tpu.memory_space<vmem>>) semaphore(%arg8 : memref<!tpu.dma_semaphore, #tpu.memory_space<semaphore_mem>>)
      %dma_start3A_45 = arith.constant 512 : i32
      %dma_start3A_46 = arith.constant 0 : i32
      %dma_start3A_47 = tpu.memref_slice %arg6[%dma_start3A_45, %dma_start3A_46] : memref<640x16xf32, #tpu.memory_space<vmem>> -> memref<128x16xf32, #tpu.memory_space<vmem>>
      %dma_start3A_48 = arith.constant 512 : i32
      %dma_start3A_49 = tpu.memref_slice %arg5[%dma_start3A_48] : memref<640xi32, #tpu.memory_space<vmem>> -> memref<128xi32, #tpu.memory_space<vmem>>
      %dma_start3A_50 = arith.constant 0 : i32
      %dma_start3A_51 = arith.constant 0 : i32
      %dma_start3A_52 = tpu.memref_slice %arg2[%dma_start3A_50, %dma_start3A_51] : memref<4096x16xf32, #tpu.memory_space<hbm>> -> memref<4096x16xf32, #tpu.memory_space<hbm>>
      tpu.enqueue_indirect_dma source(%dma_start3A_52 : memref<4096x16xf32, #tpu.memory_space<hbm>>) target(%dma_start3A_47 : memref<128x16xf32, #tpu.memory_space<vmem>>) offsets(%dma_start3A_49 : memref<128xi32, #tpu.memory_space<vmem>>) semaphore(%arg8 : memref<!tpu.dma_semaphore, #tpu.memory_space<semaphore_mem>>)
      %dma_wait3A = arith.constant 0 : i32
      %dma_wait3A_53 = arith.constant 0 : i32
      %dma_wait3A_54 = tpu.memref_slice %arg6[%dma_wait3A, %dma_wait3A_53] : memref<640x16xf32, #tpu.memory_space<vmem>> -> memref<128x16xf32, #tpu.memory_space<vmem>>
      %dma_wait3A_55 = arith.constant 0 : i32
      %dma_wait3A_56 = tpu.memref_slice %arg5[%dma_wait3A_55] : memref<640xi32, #tpu.memory_space<vmem>> -> memref<128xi32, #tpu.memory_space<vmem>>
      %dma_wait3A_57 = arith.constant 0 : i32
      %dma_wait3A_58 = arith.constant 0 : i32
      %dma_wait3A_59 = tpu.memref_slice %arg2[%dma_wait3A_57, %dma_wait3A_58] : memref<4096x16xf32, #tpu.memory_space<hbm>> -> memref<4096x16xf32, #tpu.memory_space<hbm>>
      tpu.wait_indirect_dma semaphore(%arg8 : memref<!tpu.dma_semaphore, #tpu.memory_space<semaphore_mem>>) src(%dma_wait3A_59 : memref<4096x16xf32, #tpu.memory_space<hbm>>) dst(%dma_wait3A_54 : memref<128x16xf32, #tpu.memory_space<vmem>>)
      %dma_wait3A_60 = arith.constant 128 : i32
      %dma_wait3A_61 = arith.constant 0 : i32
      %dma_wait3A_62 = tpu.memref_slice %arg6[%dma_wait3A_60, %dma_wait3A_61] : memref<640x16xf32, #tpu.memory_space<vmem>> -> memref<128x16xf32, #tpu.memory_space<vmem>>
      %dma_wait3A_63 = arith.constant 128 : i32
      %dma_wait3A_64 = tpu.memref_slice %arg5[%dma_wait3A_63] : memref<640xi32, #tpu.memory_space<vmem>> -> memref<128xi32, #tpu.memory_space<vmem>>
      %dma_wait3A_65 = arith.constant 0 : i32
      %dma_wait3A_66 = arith.constant 0 : i32
      %dma_wait3A_67 = tpu.memref_slice %arg2[%dma_wait3A_65, %dma_wait3A_66] : memref<4096x16xf32, #tpu.memory_space<hbm>> -> memref<4096x16xf32, #tpu.memory_space<hbm>>
      tpu.wait_indirect_dma semaphore(%arg8 : memref<!tpu.dma_semaphore, #tpu.memory_space<semaphore_mem>>) src(%dma_wait3A_67 : memref<4096x16xf32, #tpu.memory_space<hbm>>) dst(%dma_wait3A_62 : memref<128x16xf32, #tpu.memory_space<vmem>>)
      %dma_wait3A_68 = arith.constant 256 : i32
      %dma_wait3A_69 = arith.constant 0 : i32
      %dma_wait3A_70 = tpu.memref_slice %arg6[%dma_wait3A_68, %dma_wait3A_69] : memref<640x16xf32, #tpu.memory_space<vmem>> -> memref<128x16xf32, #tpu.memory_space<vmem>>
      %dma_wait3A_71 = arith.constant 256 : i32
      %dma_wait3A_72 = tpu.memref_slice %arg5[%dma_wait3A_71] : memref<640xi32, #tpu.memory_space<vmem>> -> memref<128xi32, #tpu.memory_space<vmem>>
      %dma_wait3A_73 = arith.constant 0 : i32
      %dma_wait3A_74 = arith.constant 0 : i32
      %dma_wait3A_75 = tpu.memref_slice %arg2[%dma_wait3A_73, %dma_wait3A_74] : memref<4096x16xf32, #tpu.memory_space<hbm>> -> memref<4096x16xf32, #tpu.memory_space<hbm>>
      tpu.wait_indirect_dma semaphore(%arg8 : memref<!tpu.dma_semaphore, #tpu.memory_space<semaphore_mem>>) src(%dma_wait3A_75 : memref<4096x16xf32, #tpu.memory_space<hbm>>) dst(%dma_wait3A_70 : memref<128x16xf32, #tpu.memory_space<vmem>>)
      %dma_wait3A_76 = arith.constant 384 : i32
      %dma_wait3A_77 = arith.constant 0 : i32
      %dma_wait3A_78 = tpu.memref_slice %arg6[%dma_wait3A_76, %dma_wait3A_77] : memref<640x16xf32, #tpu.memory_space<vmem>> -> memref<128x16xf32, #tpu.memory_space<vmem>>
      %dma_wait3A_79 = arith.constant 384 : i32
      %dma_wait3A_80 = tpu.memref_slice %arg5[%dma_wait3A_79] : memref<640xi32, #tpu.memory_space<vmem>> -> memref<128xi32, #tpu.memory_space<vmem>>
      %dma_wait3A_81 = arith.constant 0 : i32
      %dma_wait3A_82 = arith.constant 0 : i32
      %dma_wait3A_83 = tpu.memref_slice %arg2[%dma_wait3A_81, %dma_wait3A_82] : memref<4096x16xf32, #tpu.memory_space<hbm>> -> memref<4096x16xf32, #tpu.memory_space<hbm>>
      tpu.wait_indirect_dma semaphore(%arg8 : memref<!tpu.dma_semaphore, #tpu.memory_space<semaphore_mem>>) src(%dma_wait3A_83 : memref<4096x16xf32, #tpu.memory_space<hbm>>) dst(%dma_wait3A_78 : memref<128x16xf32, #tpu.memory_space<vmem>>)
      %dma_wait3A_84 = arith.constant 512 : i32
      %dma_wait3A_85 = arith.constant 0 : i32
      %dma_wait3A_86 = tpu.memref_slice %arg6[%dma_wait3A_84, %dma_wait3A_85] : memref<640x16xf32, #tpu.memory_space<vmem>> -> memref<128x16xf32, #tpu.memory_space<vmem>>
      %dma_wait3A_87 = arith.constant 512 : i32
      %dma_wait3A_88 = tpu.memref_slice %arg5[%dma_wait3A_87] : memref<640xi32, #tpu.memory_space<vmem>> -> memref<128xi32, #tpu.memory_space<vmem>>
      %dma_wait3A_89 = arith.constant 0 : i32
      %dma_wait3A_90 = arith.constant 0 : i32
      %dma_wait3A_91 = tpu.memref_slice %arg2[%dma_wait3A_89, %dma_wait3A_90] : memref<4096x16xf32, #tpu.memory_space<hbm>> -> memref<4096x16xf32, #tpu.memory_space<hbm>>
      tpu.wait_indirect_dma semaphore(%arg8 : memref<!tpu.dma_semaphore, #tpu.memory_space<semaphore_mem>>) src(%dma_wait3A_91 : memref<4096x16xf32, #tpu.memory_space<hbm>>) dst(%dma_wait3A_86 : memref<128x16xf32, #tpu.memory_space<vmem>>)
      %scan3A_92 = arith.constant 0 : i32
      %scan3A_93 = arith.constant 0 : i32
      %scan3A_94 = arith.constant 32 : i32
      %scan3A_95 = arith.addi %scan3A_93, %scan3A_94 : i32
      %scan3A_96 = arith.constant 1 : i32
      scf.for %scan3A_98 = %scan3A_93 to %scan3A_95 step %scan3A_96  : i32 {
        %mul3A_99 = arith.constant 20 : i32
        %mul3A_100 = arith.muli %scan3A_98, %mul3A_99 : i32
        %get3A = arith.index_cast %mul3A_100 : i32 to index
        %get3A_101 = arith.constant 0 : index
        %get3A_102 = tpu.vector_load %arg6[%get3A, %get3A_101] {strides = array<i32>} : memref<640x16xf32, #tpu.memory_space<vmem>>, vector<16xf32>,
        %mul3A_103 = arith.constant 20 : i32
        %mul3A_104 = arith.muli %scan3A_98, %mul3A_103 : i32
        %add3A_105 = arith.constant 1 : i32
        %add3A_106 = arith.addi %mul3A_104, %add3A_105 : i32
        %get3A_107 = arith.index_cast %add3A_106 : i32 to index
        %get3A_108 = arith.constant 0 : index
        %get3A_109 = tpu.vector_load %arg6[%get3A_107, %get3A_108] {strides = array<i32>} : memref<640x16xf32, #tpu.memory_space<vmem>>, vector<16xf32>,
        %add3A_110 = arith.addf %get3A_102, %get3A_109 : vector<16xf32>
        %mul3A_111 = arith.constant 20 : i32
        %mul3A_112 = arith.muli %scan3A_98, %mul3A_111 : i32
        %add3A_113 = arith.constant 2 : i32
        %add3A_114 = arith.addi %mul3A_112, %add3A_113 : i32
        %get3A_115 = arith.index_cast %add3A_114 : i32 to index
        %get3A_116 = arith.constant 0 : index
        %get3A_117 = tpu.vector_load %arg6[%get3A_115, %get3A_116] {strides = array<i32>} : memref<640x16xf32, #tpu.memory_space<vmem>>, vector<16xf32>,
        %add3A_118 = arith.addf %add3A_110, %get3A_117 : vector<16xf32>
        %mul3A_119 = arith.constant 20 : i32
        %mul3A_120 = arith.muli %scan3A_98, %mul3A_119 : i32
        %add3A_121 = arith.constant 3 : i32
        %add3A_122 = arith.addi %mul3A_120, %add3A_121 : i32
        %get3A_123 = arith.index_cast %add3A_122 : i32 to index
        %get3A_124 = arith.constant 0 : index
        %get3A_125 = tpu.vector_load %arg6[%get3A_123, %get3A_124] {strides = array<i32>} : memref<640x16xf32, #tpu.memory_space<vmem>>, vector<16xf32>,
        %add3A_126 = arith.addf %add3A_118, %get3A_125 : vector<16xf32>
        %mul3A_127 = arith.constant 20 : i32
        %mul3A_128 = arith.muli %scan3A_98, %mul3A_127 : i32
        %add3A_129 = arith.constant 4 : i32
        %add3A_130 = arith.addi %mul3A_128, %add3A_129 : i32
        %get3A_131 = arith.index_cast %add3A_130 : i32 to index
        %get3A_132 = arith.constant 0 : index
        %get3A_133 = tpu.vector_load %arg6[%get3A_131, %get3A_132] {strides = array<i32>} : memref<640x16xf32, #tpu.memory_space<vmem>>, vector<16xf32>,
        %add3A_134 = arith.addf %add3A_126, %get3A_133 : vector<16xf32>
        %mul3A_135 = arith.constant 20 : i32
        %mul3A_136 = arith.muli %scan3A_98, %mul3A_135 : i32
        %add3A_137 = arith.constant 5 : i32
        %add3A_138 = arith.addi %mul3A_136, %add3A_137 : i32
        %get3A_139 = arith.index_cast %add3A_138 : i32 to index
        %get3A_140 = arith.constant 0 : index
        %get3A_141 = tpu.vector_load %arg6[%get3A_139, %get3A_140] {strides = array<i32>} : memref<640x16xf32, #tpu.memory_space<vmem>>, vector<16xf32>,
        %add3A_142 = arith.addf %add3A_134, %get3A_141 : vector<16xf32>
        %mul3A_143 = arith.constant 20 : i32
        %mul3A_144 = arith.muli %scan3A_98, %mul3A_143 : i32
        %add3A_145 = arith.constant 6 : i32
        %add3A_146 = arith.addi %mul3A_144, %add3A_145 : i32
        %get3A_147 = arith.index_cast %add3A_146 : i32 to index
        %get3A_148 = arith.constant 0 : index
        %get3A_149 = tpu.vector_load %arg6[%get3A_147, %get3A_148] {strides = array<i32>} : memref<640x16xf32, #tpu.memory_space<vmem>>, vector<16xf32>,
        %add3A_150 = arith.addf %add3A_142, %get3A_149 : vector<16xf32>
        %mul3A_151 = arith.constant 20 : i32
        %mul3A_152 = arith.muli %scan3A_98, %mul3A_151 : i32
        %add3A_153 = arith.constant 7 : i32
        %add3A_154 = arith.addi %mul3A_152, %add3A_153 : i32
        %get3A_155 = arith.index_cast %add3A_154 : i32 to index
        %get3A_156 = arith.constant 0 : index
        %get3A_157 = tpu.vector_load %arg6[%get3A_155, %get3A_156] {strides = array<i32>} : memref<640x16xf32, #tpu.memory_space<vmem>>, vector<16xf32>,
        %add3A_158 = arith.addf %add3A_150, %get3A_157 : vector<16xf32>
        %mul3A_159 = arith.constant 20 : i32
        %mul3A_160 = arith.muli %scan3A_98, %mul3A_159 : i32
        %add3A_161 = arith.constant 8 : i32
        %add3A_162 = arith.addi %mul3A_160, %add3A_161 : i32
        %get3A_163 = arith.index_cast %add3A_162 : i32 to index
        %get3A_164 = arith.constant 0 : index
        %get3A_165 = tpu.vector_load %arg6[%get3A_163, %get3A_164] {strides = array<i32>} : memref<640x16xf32, #tpu.memory_space<vmem>>, vector<16xf32>,
        %add3A_166 = arith.addf %add3A_158, %get3A_165 : vector<16xf32>
        %mul3A_167 = arith.constant 20 : i32
        %mul3A_168 = arith.muli %scan3A_98, %mul3A_167 : i32
        %add3A_169 = arith.constant 9 : i32
        %add3A_170 = arith.addi %mul3A_168, %add3A_169 : i32
        %get3A_171 = arith.index_cast %add3A_170 : i32 to index
        %get3A_172 = arith.constant 0 : index
        %get3A_173 = tpu.vector_load %arg6[%get3A_171, %get3A_172] {strides = array<i32>} : memref<640x16xf32, #tpu.memory_space<vmem>>, vector<16xf32>,
        %add3A_174 = arith.addf %add3A_166, %get3A_173 : vector<16xf32>
        %mul3A_175 = arith.constant 20 : i32
        %mul3A_176 = arith.muli %scan3A_98, %mul3A_175 : i32
        %add3A_177 = arith.constant 10 : i32
        %add3A_178 = arith.addi %mul3A_176, %add3A_177 : i32
        %get3A_179 = arith.index_cast %add3A_178 : i32 to index
        %get3A_180 = arith.constant 0 : index
        %get3A_181 = tpu.vector_load %arg6[%get3A_179, %get3A_180] {strides = array<i32>} : memref<640x16xf32, #tpu.memory_space<vmem>>, vector<16xf32>,
        %add3A_182 = arith.addf %add3A_174, %get3A_181 : vector<16xf32>
        %mul3A_183 = arith.constant 20 : i32
        %mul3A_184 = arith.muli %scan3A_98, %mul3A_183 : i32
        %add3A_185 = arith.constant 11 : i32
        %add3A_186 = arith.addi %mul3A_184, %add3A_185 : i32
        %get3A_187 = arith.index_cast %add3A_186 : i32 to index
        %get3A_188 = arith.constant 0 : index
        %get3A_189 = tpu.vector_load %arg6[%get3A_187, %get3A_188] {strides = array<i32>} : memref<640x16xf32, #tpu.memory_space<vmem>>, vector<16xf32>,
        %add3A_190 = arith.addf %add3A_182, %get3A_189 : vector<16xf32>
        %mul3A_191 = arith.constant 20 : i32
        %mul3A_192 = arith.muli %scan3A_98, %mul3A_191 : i32
        %add3A_193 = arith.constant 12 : i32
        %add3A_194 = arith.addi %mul3A_192, %add3A_193 : i32
        %get3A_195 = arith.index_cast %add3A_194 : i32 to index
        %get3A_196 = arith.constant 0 : index
        %get3A_197 = tpu.vector_load %arg6[%get3A_195, %get3A_196] {strides = array<i32>} : memref<640x16xf32, #tpu.memory_space<vmem>>, vector<16xf32>,
        %add3A_198 = arith.addf %add3A_190, %get3A_197 : vector<16xf32>
        %mul3A_199 = arith.constant 20 : i32
        %mul3A_200 = arith.muli %scan3A_98, %mul3A_199 : i32
        %add3A_201 = arith.constant 13 : i32
        %add3A_202 = arith.addi %mul3A_200, %add3A_201 : i32
        %get3A_203 = arith.index_cast %add3A_202 : i32 to index
        %get3A_204 = arith.constant 0 : index
        %get3A_205 = tpu.vector_load %arg6[%get3A_203, %get3A_204] {strides = array<i32>} : memref<640x16xf32, #tpu.memory_space<vmem>>, vector<16xf32>,
        %add3A_206 = arith.addf %add3A_198, %get3A_205 : vector<16xf32>
        %mul3A_207 = arith.constant 20 : i32
        %mul3A_208 = arith.muli %scan3A_98, %mul3A_207 : i32
        %add3A_209 = arith.constant 14 : i32
        %add3A_210 = arith.addi %mul3A_208, %add3A_209 : i32
        %get3A_211 = arith.index_cast %add3A_210 : i32 to index
        %get3A_212 = arith.constant 0 : index
        %get3A_213 = tpu.vector_load %arg6[%get3A_211, %get3A_212] {strides = array<i32>} : memref<640x16xf32, #tpu.memory_space<vmem>>, vector<16xf32>,
        %add3A_214 = arith.addf %add3A_206, %get3A_213 : vector<16xf32>
        %mul3A_215 = arith.constant 20 : i32
        %mul3A_216 = arith.muli %scan3A_98, %mul3A_215 : i32
        %add3A_217 = arith.constant 15 : i32
        %add3A_218 = arith.addi %mul3A_216, %add3A_217 : i32
        %get3A_219 = arith.index_cast %add3A_218 : i32 to index
        %get3A_220 = arith.constant 0 : index
        %get3A_221 = tpu.vector_load %arg6[%get3A_219, %get3A_220] {strides = array<i32>} : memref<640x16xf32, #tpu.memory_space<vmem>>, vector<16xf32>,
        %add3A_222 = arith.addf %add3A_214, %get3A_221 : vector<16xf32>
        %mul3A_223 = arith.constant 20 : i32
        %mul3A_224 = arith.muli %scan3A_98, %mul3A_223 : i32
        %add3A_225 = arith.constant 16 : i32
        %add3A_226 = arith.addi %mul3A_224, %add3A_225 : i32
        %get3A_227 = arith.index_cast %add3A_226 : i32 to index
        %get3A_228 = arith.constant 0 : index
        %get3A_229 = tpu.vector_load %arg6[%get3A_227, %get3A_228] {strides = array<i32>} : memref<640x16xf32, #tpu.memory_space<vmem>>, vector<16xf32>,
        %add3A_230 = arith.addf %add3A_222, %get3A_229 : vector<16xf32>
        %mul3A_231 = arith.constant 20 : i32
        %mul3A_232 = arith.muli %scan3A_98, %mul3A_231 : i32
        %add3A_233 = arith.constant 17 : i32
        %add3A_234 = arith.addi %mul3A_232, %add3A_233 : i32
        %get3A_235 = arith.index_cast %add3A_234 : i32 to index
        %get3A_236 = arith.constant 0 : index
        %get3A_237 = tpu.vector_load %arg6[%get3A_235, %get3A_236] {strides = array<i32>} : memref<640x16xf32, #tpu.memory_space<vmem>>, vector<16xf32>,
        %add3A_238 = arith.addf %add3A_230, %get3A_237 : vector<16xf32>
        %mul3A_239 = arith.constant 20 : i32
        %mul3A_240 = arith.muli %scan3A_98, %mul3A_239 : i32
        %add3A_241 = arith.constant 18 : i32
        %add3A_242 = arith.addi %mul3A_240, %add3A_241 : i32
        %get3A_243 = arith.index_cast %add3A_242 : i32 to index
        %get3A_244 = arith.constant 0 : index
        %get3A_245 = tpu.vector_load %arg6[%get3A_243, %get3A_244] {strides = array<i32>} : memref<640x16xf32, #tpu.memory_space<vmem>>, vector<16xf32>,
        %add3A_246 = arith.addf %add3A_238, %get3A_245 : vector<16xf32>
        %mul3A_247 = arith.constant 20 : i32
        %mul3A_248 = arith.muli %scan3A_98, %mul3A_247 : i32
        %add3A_249 = arith.constant 19 : i32
        %add3A_250 = arith.addi %mul3A_248, %add3A_249 : i32
        %get3A_251 = arith.index_cast %add3A_250 : i32 to index
        %get3A_252 = arith.constant 0 : index
        %get3A_253 = tpu.vector_load %arg6[%get3A_251, %get3A_252] {strides = array<i32>} : memref<640x16xf32, #tpu.memory_space<vmem>>, vector<16xf32>,
        %add3A_254 = arith.addf %add3A_246, %get3A_253 : vector<16xf32>
        %swap3A = arith.index_cast %scan3A_98 : i32 to index
        %swap3A_255 = arith.constant 0 : index
        %swap3A_256 = tpu.vector_load %arg7[%swap3A, %swap3A_255] {strides = array<i32>} : memref<32x16xf32, #tpu.memory_space<vmem>>, vector<16xf32>,
        tpu.vector_store %arg7[%swap3A, %swap3A_255], %add3A_254 {strides = array<i32>} : memref<32x16xf32, #tpu.memory_space<vmem>>, vector<16xf32>,
      }
      %scan3A_97 = arith.constant 32 : i32
      "tpu.region"() ({
        %run_scoped3A = tpu.sem_alloc : memref<!tpu.dma_semaphore, #tpu.memory_space<semaphore_mem>>
        %dma_start3A_98 = arith.constant 0 : i32
        %dma_start3A_99 = tpu.memref_slice %arg4[%add3A_11, %dma_start3A_98] : memref<4096x16xf32, #tpu.memory_space<hbm>> -> memref<32x16xf32, #tpu.memory_space<hbm>>
        %dma_start3A_100 = arith.constant 0 : i32
        %dma_start3A_101 = tpu.memref_slice %arg4[%add3A_11, %dma_start3A_100] : memref<4096x16xf32, #tpu.memory_space<hbm>> -> memref<32x16xf32, #tpu.memory_space<hbm>>
        tpu.enqueue_dma source(%arg7 : memref<32x16xf32, #tpu.memory_space<vmem>>) target(%dma_start3A_101 : memref<32x16xf32, #tpu.memory_space<hbm>>) target_semaphore(%run_scoped3A : memref<!tpu.dma_semaphore, #tpu.memory_space<semaphore_mem>>)
        %dma_wait3A_102 = arith.constant 0 : i32
        %dma_wait3A_103 = tpu.memref_slice %arg4[%add3A_11, %dma_wait3A_102] : memref<4096x16xf32, #tpu.memory_space<hbm>> -> memref<32x16xf32, #tpu.memory_space<hbm>>
        %dma_wait3A_104 = arith.constant 0 : i32
        %dma_wait3A_105 = tpu.memref_slice %arg4[%add3A_11, %dma_wait3A_104] : memref<4096x16xf32, #tpu.memory_space<hbm>> -> memref<32x16xf32, #tpu.memory_space<hbm>>
        tpu.wait_dma2 semaphore(%run_scoped3A : memref<!tpu.dma_semaphore, #tpu.memory_space<semaphore_mem>>) src(%arg7 : memref<32x16xf32, #tpu.memory_space<vmem>>) dst(%dma_wait3A_105 : memref<32x16xf32, #tpu.memory_space<hbm>>)
        tpu.yield
      }) : () -> ()
    }
    %scan3A_7 = arith.constant 4 : i32
    return
  }
}

</mosaic_0001>

<sc_bundles>
// kernel: _sc_gather_sum_call.3.cloned.1.call-start
scs
__scs_entry_jumppad:
0x0: {  	(pc) =	sbr.rel $0x88, $3  }
0x1: {  	(tag) =	ssettag $0x0;
	lr =	simm.s32 $0x1  }
0x2: {  	[smem:$0x3F9F] =	sst lr;
	_ =	strace $0xD0000000  }
0x3: {  	_ = 	snop  }
0x4: {  	_ = 	snop  }
0x5: {  	_ = 	snop  }
0x6: {  	_ = 	snop  }
0x7: {  	_ = 	snop  }
__scs_overlays_trampoline_lowered:
0x8: {  	[smem:$0x3FAE] =	sst s0  }
0x9: {  	[smem:$0x3FAF] =	sst s1  }
0xa: {  	[smem:$0x3FB0] =	sst s2  }
0xb: {  	[smem:$0x3FB1] =	sst s3  }
0xc: {  	[smem:$0x3FB2] =	sst s4  }
0xd: {  	[smem:$0x3FB3] =	sst s5  }
0xe: {  	[smem:$0x3FB4] =	sst s6  }
0xf: {  	[smem:$0x3FB5] =	sst s7  }
0x10: {  	[smem:$0x3FB6] =	sst s8  }
0x11: {  	[smem:$0x3FB7] =	sst s9;
	s0 =	simm.s32 @!p0 $0x0  }
0x12: {  	s1 =	sld [smem:$0x3F9D];
	s0 =	simm.s32 @p0 $0x1  }
0x13: {  	[smem:$0x3FB8] =	sst s0;
	s0 =	simm.s32 @!p1 $0x0  }
0x14: {  	s2 =	sld [smem:$0x3F9C];
	s0 =	simm.s32 @p1 $0x1  }
0x15: {  	[smem:$0x3FB9] =	sst s0;
	s0 =	simm.s32 @!p2 $0x0  }
0x16: {  	s3 =	sld [smem:$0x3FDB];
	s0 =	simm.s32 @p2 $0x1  }
0x17: {  	s4 =	simm.s32 $0x1BF5;
	[smem:$0x3FBB] =	sst s0  }
0x18: {  	s0 =	sld [smem:$0x3F9E];
	_ =	swait.ge [sflag:s4], $0x0  }
0x19: {  	s7 =	sld [smem:$0x3F9F]  }
0x1a: {  	s8 =	sadd.s32 $0xFFFFE003, lr  }
0x1b: {  	s9 =	sadd.s32 $0xFFFFFEF7, lr;
	s5 =	simm.s32 $0xFFFFFFFF;
	p2 =	slt.u32 s8, $0xFFFFF086  }
0x1c: {  	p1 =	slt.u32 s9, $0xF7A;
	s5 =	simm.s32 @!p2 $0x0  }
0x1d: {  	s5 =	simm.s32 @p1 $0x1;
	p0 =	seq.s32 s7, s2  }
0x1e: {  	s7 =	smul.u32 @!p0 $0xF7A, s2;
	p2 =	seq.s32 @!p0 s5, $0x0  }
0x1f: {  	s9 =	smul.u32 $0xF7A, s1;
	s8 =	simm.s32 @!p0 $0x1BF5;
	p2 =	por !p2, p0  }
0x20: {  	[sflag:s8] =	ssyncset.s32 @!p0 $0xFFFFF086;
	s6 =	sadd.s32 @!p0 s3, s7;
	s7 =	simm.s32 @!p0 $0x108  }
0x21: {  	s3 =	sadd.s32 s3, s9;
	s6 =	sadd.s32 @!p0 $0x88, s6;
	s7 =	simm.s32 @p2 $0x1082  }
0x22: {  	[simem:s7], [sflag:s8] =	dma.local @!p0 [hbm:s6], $0xF7A  }
0x23: {  	s9 =	sor.u32 $0xD0000000, s2;
	s6 =	simm.s32 $0x108;
	_ =	swait.ge @!p0 [sflag:s8], $0x0  }
0x24: {  	s3 =	sadd.s32 $0x88, s3;
	s6 =	simm.s32 @!p1 $0x1082;
	[sflag:s4] =	ssyncset.s32 $0xFFFFF086  }
0x25: {  	[simem:s6], [sflag:s4] =	dma.local [hbm:s3], $0xF7A  }
0x26: {  	[smem:$0x3F9F] =	sst s1;
	(tag) =	ssettag s2;
	_ =	strace s9  }
0x27: {  	s1 =	sld [smem:$0x3FAF]  }
0x28: {  	s2 =	sld [smem:$0x3FB0]  }
0x29: {  	s4 =	sld [smem:$0x3FB2]  }
0x2a: {  	p0 =	seq.s32 s5, $0x0;
	s5 =	sld [smem:$0x3FB3]  }
0x2b: {  	s6 =	sld [smem:$0x3FB4]  }
0x2c: {  	s7 =	sld [smem:$0x3FB5]  }
0x2d: {  	s3 =	simm.s32 $0x108;
	s8 =	sld [smem:$0x3FB6]  }
0x2e: {  	s3 =	simm.s32 @!p0 $0x1082;
	s9 =	sld [smem:$0x3FB7]  }
0x2f: {  	lr =	sadd.s32 s0, s3;
	s0 =	sld [smem:$0x3FAE]  }
0x30: {  	s3 =	sld [smem:$0x3FB1]  }
0x31: {  	[smem:$0x3FBA] =	sst s10  }
0x32: {  	s10 =	sld [smem:$0x3FB8];
	_ =	sdelay $0x3  }
0x33: {  	p0 =	seq.s32 s10, $0x1;
	s10 =	sld [smem:$0x3FBA];
	_ =	sdelay $0x3  }
0x34: {  	[smem:$0x3FBA] =	sst s10  }
0x35: {  	s10 =	sld [smem:$0x3FB9];
	_ =	sdelay $0x3  }
0x36: {  	p1 =	seq.s32 s10, $0x1;
	s10 =	sld [smem:$0x3FBA];
	_ =	sdelay $0x3  }
0x37: {  	[smem:$0x3FBA] =	sst s10  }
0x38: {  	s10 =	sld [smem:$0x3FBB]  }
0x39: {  	_ = 	snop;
	(pc) =	sbr.ind lr, $3  }
0x3a: {  	_ = 	snop  }
0x3b: {  	_ = 	snop  }
0x3c: {  	p2 =	seq.s32 s10, $0x1;
	s10 =	sld [smem:$0x3FBA]  }
0x3d: {  	_ =	shalt  }
0x3e: {  	_ =	shalt  }
0x3f: {  	_ =	shalt  }
0x40: {  	_ =	shalt  }
0x41: {  	_ =	shalt  }
0x42: {  	_ =	shalt  }
0x43: {  	_ =	shalt  }
0x44: {  	_ =	shalt  }
0x45: {  	_ =	shalt  }
0x46: {  	_ =	shalt  }
0x47: {  	_ =	shalt  }
0x48: {  	_ =	shalt  }
0x49: {  	_ =	shalt  }
0x4a: {  	_ =	shalt  }
0x4b: {  	_ =	shalt  }
0x4c: {  	_ =	shalt  }
0x4d: {  	_ =	shalt  }
0x4e: {  	_ =	shalt  }
0x4f: {  	_ =	shalt  }
0x50: {  	_ =	shalt  }
0x51: {  	_ =	shalt  }
0x52: {  	_ =	shalt  }
0x53: {  	_ =	shalt  }
0x54: {  	_ =	shalt  }
0x55: {  	_ =	shalt  }
0x56: {  	_ =	shalt  }
0x57: {  	_ =	shalt  }
0x58: {  	_ =	shalt  }
0x59: {  	_ =	shalt  }
0x5a: {  	_ =	shalt  }
0x5b: {  	_ =	shalt  }
0x5c: {  	_ =	shalt  }
0x5d: {  	_ =	shalt  }
0x5e: {  	_ =	shalt  }
0x5f: {  	_ =	shalt  }
0x60: {  	_ =	shalt  }
0x61: {  	_ =	shalt  }
0x62: {  	_ =	shalt  }
0x63: {  	_ =	shalt  }
0x64: {  	_ =	shalt  }
0x65: {  	_ =	shalt  }
0x66: {  	_ =	shalt  }
0x67: {  	_ =	shalt  }
0x68: {  	_ =	shalt  }
0x69: {  	_ =	shalt  }
0x6a: {  	_ =	shalt  }
0x6b: {  	_ =	shalt  }
0x6c: {  	_ =	shalt  }
0x6d: {  	_ =	shalt  }
0x6e: {  	_ =	shalt  }
0x6f: {  	_ =	shalt  }
0x70: {  	_ =	shalt  }
0x71: {  	_ =	shalt  }
0x72: {  	_ =	shalt  }
0x73: {  	_ =	shalt  }
0x74: {  	_ =	shalt  }
0x75: {  	_ =	shalt  }
0x76: {  	_ =	shalt  }
0x77: {  	_ =	shalt  }
0x78: {  	_ =	shalt  }
0x79: {  	_ =	shalt  }
0x7a: {  	_ =	shalt  }
0x7b: {  	_ =	shalt  }
0x7c: {  	_ =	shalt  }
0x7d: {  	_ =	shalt  }
0x7e: {  	_ =	shalt  }
0x7f: {  	_ =	shalt  }
0x80: {  	_ =	shalt  }
0x81: {  	_ =	shalt  }
0x82: {  	_ =	shalt  }
0x83: {  	_ =	shalt  }
0x84: {  	_ =	shalt  }
0x85: {  	_ =	shalt  }
0x86: {  	_ =	shalt  }
0x87: {  	_ =	shalt  }
.Lfunc_end0:
.L_simem_size_0:
called_computation_lowered:
.L_overlay_start_0:
0x88: {  	s2 =	sld [smem:$0x3FD9]  }
0x89: {  	s3 =	sld [smem:$0x3FFE];
	_ =	sdelay $0x1  }
0x8a: {  	s1 =	srdreg.scid  }
0x8b: {  	s0 =	sand.u32 $0x1, s1  }
0x8c: {  	s17 =	sshll.u32 s0, $0xA;
	s2 =	sadd.s32 s3, s2  }
0x8d: {  	s2 =	sadd.s32 s2, s17  }
0x8e: {  	[smem:$0x3FC6] =	sst s2  }
0x8f: {  	_ = 	snop  }
0x90: {  	s2 =	sld [smem:$0x3FC8]  }
0x91: {  	s18 =	sld [smem:$0x3FD0];
	(tm) =	ssettm $0x1  }
0x92: {  	s4 =	sld [smem:$0x3FFB];
	_ =	sdelay $0x3  }
0x93: {  	_ =	strace s4  }
0x94: {  	s4 =	sld [smem:$0x3FFC];
	_ =	sdelay $0x3  }
0x95: {  	_ =	strace s4  }
0x96: {  	s4 =	sld [smem:$0x3FFD];
	_ =	sdelay $0x3  }
0x97: {  	_ =	strace s4  }
0x98: {  	_ =	strace $0x8FFFFFFF  }
0x99: {  	s19 =	sld [smem:$0x3FDB];
	_ =	sdelay $0x1  }
0x9a: {  	s5 =	simm.s32 $_scs_section_size  }
0x9b: {  	s6 =	simm.s32 $_size__tile_overlayer_lowered;
	s7 =	simm.s32 $_tile_overlayer_lowered  }
0x9c: {  	s22 =	simm.s32 $0x1BFF;
	s21 =	sshll.u32 s7, $0x1;
	s4 =	sadd.s32 s5, s19  }
0x9d: {  	s8 =	simm.s32 $0x0;
	s20 =	sshll.u32 s6, $0x1;
	s6 =	sadd.s32 s21, s4  }
0x9e: {  	[timem:s8], [sflag:s22] =	dma.local [hbm:s6], s20  }
0x9f: {  	_ =	swait.ge [sflag:s22], s20  }
0xa0: {  	s5 =	ssub.s32 $0x0, s20;
	[sflag:s22] =	ssyncset.done $0x0  }
0xa1: {  	[sflag:s22] =	ssyncadd.s32 s5;
	_ =	sdelay $0x1  }
0xa2: {  	s23 =	simm.s32 $0x1B8B  }
0xa3: {  	_ =	swait.ge [sflag:s23], $0x1  }
0xa4: {  	[sflag:s23] =	ssyncset.done $0x0  }
0xa5: {  	s25 =	simm.s32 $0x1B8E;
	s24 =	sld [smem:$0x3FFE];
	[sflag:s23] =	ssyncadd.s32 $0xFFFFFFFF  }
0xa6: {  	s26 =	simm.s32 $execute0_lowered;
	[smem:$0x3FD2] =	sst s25  }
0xa7: {  	s6 =	sshll.u32 s26, $0x1;
	_ =	strace $0x80000046;
	[dreg:$0x1] =	wrdreg $0xFFFFFFFF  }
0xa8: {  	s28 =	simm.s32 $_size_execute0_lowered;
	s4 =	sadd.s32 s4, s6;
	[dreg:$0x0] =	wrdreg $0x0  }
0xa9: {  	s6 =	sshll.u32 s28, $0x1;
	[dreg:$0x2] =	wrdreg s4  }
0xaa: {  	[dreg:$0x3] =	wrdreg s6  }
0xab: {  	[dreg:$0x4] =	wrdreg $0xC0  }
0xac: {  	_ =	task [dreg:s8], $0x5FFFF  }
0xad: {  	[dreg:$0x1] =	wrdreg $0xFFFFFFFF  }
0xae: {  	[dreg:$0x0] =	wrdreg $0x60  }
0xaf: {  	[dreg:$0x2] =	wrdreg s18  }
0xb0: {  	[dreg:$0x3] =	wrdreg s2  }
0xb1: {  	[dreg:$0x4] =	wrdreg s24  }
0xb2: {  	[dreg:$0x5] =	wrdreg $0x9  }
0xb3: {  	_ =	task.clear_ibuf [dreg:s8], $0x6FFFF;
	_ =	strace $0x90000046  }
0xb4: {  	s29 =	simm.s32 $0x9;
	_ =	strace $0x80000048  }
0xb5: {  	_ =	swait.ge [sflag:s29], $0x1  }
0xb6: {  	[sflag:s29] =	ssyncadd.s32 $0xFFFFFFFF  }
0xb7: {  	_ =	strace $0x90000048  }
0xb8: {  	_ =	sfence  }
0xb9: {  	s30 =	sld [smem:$0x0];
	_ =	sdelay $0x2  }
0xba: {  	s31 =	sshll.u32 s1, $0xD;
	s1 =	sshrl.u32 s1, $0x2  }
0xbb: {  	s3 =	sand.u32 $0x4000, s31;
	s1 =	sadd.s32 s1, s30  }
0xbc: {  	s0 =	sor.u32 s3, s0;
	s1 =	sshll.u32 s1, $0x11  }
0xbd: {  	s0 =	sor.u32 s1, s0  }
0xbe: {  	s0 =	sadd.s32 $0x8F2B, s0  }
0xbf: {  	[sflag:s0] =	ssyncadd.remote.s32 $0x1  }
0xc0: {  	_ =	sfence.sel $0xFFFF  }
0xc1: {  	[dreg:$0x0] =	wrdreg $0xFFFFFFFF;
	(pc) =	sbr.abs _section_cstart, $3  }
0xc2: {  	[dreg:$0x1] =	wrdreg $0xFFFFFFFF  }
0xc3: {  	_ =	task.clear_ibuf [dreg:s8], $0x2FFFF;
	_ =	strace $0x9FFFFFFF  }
0xc4: {  	(tm) =	ssettm $0x7FFFFFFF  }
0xc5: {  	_ =	shalt  }
tec
execute0_lowered:
.L_overlay_start_1:
0x0: {  	(tag) =	ssettag $0x1  }
0x1: {  	s1 =	rddreg [dreg:$0x0]  }
0x2: {  	s2 =	rddreg [dreg:$0x1]  }
0x3: {  	s4 =	rddreg [dreg:$0x2]  }
0x4: {  	s0 =	rddreg [dreg:$0x3]  }
0x5: {  	s3 =	simm.s32 $0x0;
	s5 =	srdreg.scid;
	s9 =	simm.s32 $0x80  }
0x6: {  	s10 =	simm.s32 $0x280;
	s11 =	simm.s32 $0xA80;
	s12 =	simm.s32 $0x100  }
0x7: {  	s13 =	simm.s32 $0x1280;
	s14 =	simm.s32 $0x180;
	s15 =	simm.s32 $0x1A80  }
0x8: {  	s16 =	simm.s32 $0x200;
	s17 =	simm.s32 $0x2280;
	s18 =	simm.s32 $0x1  }
0x9: {  	s19 =	simm.s32 $0x2A80;
	s20 =	simm.s32 $0x0;
	s6 =	sand.u32 $0x1, s5  }
0xa: {  	[smem:$0x7FF] =	sst s3;
	s5 =	sadd.s32 $0x400, s4;
	s7 =	ssub.s32 $0x2, s6  }
0xb: {  	s4 =	stileid.u32;
	_ =	strace $0x80000047;
	s8 =	sshrl.u32 s7, $0x1  }
0xc: {  	s31 =	sshll.u32 s4, $0x8;
	s6 =	sshll.u32 s6, $0x7;
	s7 =	ssub.s32 s7, s8  }
0xd: {  	s6 =	sor.u32 s6, s31;
	s8 =	simm.s32 $0x2;
	s7 =	smax.u32 s7, $0x1  }
.LBB2_1:
0xe: {  	s21 =	simm.s32 $0x0  }
.LBB2_2:
0xf: {  	s22 =	sshll.u32 s21, $0x5  }
0x10: {  	s22 =	sadd.s32 s6, s22  }
0x11: {  	s23 =	smul.u32 $0x14, s22;
	_ =	sdelay $0x1  }
0x12: {  	s23 =	sshrl.u32 s23, $0x3  }
0x13: {  	s24 =	sadd.s32 s2, s23;
	s23 =	simm.s32 $0x0  }
0x14: {  	[tilespmem:s23], [sflag:$0x2] =	stream.linear.gather [hbm4b:s24+s23], $0x280, $0x38;
	[tilespmem:$0x2C80] =	vst v63  }
0x15: {  	_ =	swait.ge [sflag:s8], $0x280  }
0x16: {  	[sflag:s8] =	ssyncset.done $0x0  }
0x17: {  	[sflag:s8] =	ssyncadd.s32 $0xFFFFFD80  }
0x18: {  	[tilespmem:s10], [sflag:$0x1] =	stream.indirect.gather [hbm4b:s1+s9], $0x10, s23, s9, $0xb8;
	[tilespmem:$0x2C80] =	vst v63  }
0x19: {  	_ = 	snop  }
0x1a: {  	[tilespmem:s11], [sflag:$0x1] =	stream.indirect.gather [hbm4b:s1+s9], $0x10, s9, s9, $0xb8;
	[tilespmem:$0x2C80] =	vst v63  }
0x1b: {  	_ = 	snop  }
0x1c: {  	[tilespmem:s13], [sflag:$0x1] =	stream.indirect.gather [hbm4b:s1+s9], $0x10, s12, s9, $0xb8;
	[tilespmem:$0x2C80] =	vst v63  }
0x1d: {  	_ = 	snop  }
0x1e: {  	[tilespmem:s15], [sflag:$0x1] =	stream.indirect.gather [hbm4b:s1+s9], $0x10, s14, s9, $0xb8;
	[tilespmem:$0x2C80] =	vst v63  }
0x1f: {  	_ = 	snop  }
0x20: {  	[tilespmem:s17], [sflag:$0x1] =	stream.indirect.gather [hbm4b:s1+s9], $0x10, s16, s9, $0xb8;
	[tilespmem:$0x2C80] =	vst v63  }
0x21: {  	_ =	swait.ge [sflag:s18], $0x800  }
0x22: {  	[sflag:s18] =	ssyncset.done $0x0  }
0x23: {  	[sflag:s18] =	ssyncadd.s32 $0xFFFFF800  }
0x24: {  	_ =	swait.ge [sflag:s18], $0x800  }
0x25: {  	[sflag:s18] =	ssyncset.done $0x0  }
0x26: {  	[sflag:s18] =	ssyncadd.s32 $0xFFFFF800  }
0x27: {  	_ =	swait.ge [sflag:s18], $0x800  }
0x28: {  	[sflag:s18] =	ssyncset.done $0x0  }
0x29: {  	[sflag:s18] =	ssyncadd.s32 $0xFFFFF800  }
0x2a: {  	_ =	swait.ge [sflag:s18], $0x800  }
0x2b: {  	[sflag:s18] =	ssyncset.done $0x0  }
0x2c: {  	[sflag:s18] =	ssyncadd.s32 $0xFFFFF800  }
0x2d: {  	_ =	swait.ge [sflag:s18], $0x800  }
0x2e: {  	[sflag:s18] =	ssyncset.done $0x0  }
0x2f: {  	s24 =	simm.s32 $0x320;
	[sflag:s18] =	ssyncadd.s32 $0xFFFFF800  }
0x30: {  	v0 =	vld [tilespmem:s24+$0xFFFFFF70]  }
0x31: {  	s25 =	simm.s32 $0x40;
	v1 =	vld [tilespmem:s24+$0xFFFFFF60]  }
.LBB2_3:
0x32: {  	p0 =	sne.s32 s25, $0x7C0  }
0x33: {  	v2 =	vld [tilespmem:s24+$0xFFFFFF80];
	_ =	sdelay $0x1  }
0x34: {  	v3 =	vld [tilespmem:s24+$0xFFFFFF90]  }
0x35: {  	v0 =	vadd.f32 v0, v1  }
0x36: {  	v1 =	vld [tilespmem:s24+$0xFFFFFFA0]  }
0x37: {  	v0 =	vadd.f32 v2, v0  }
0x38: {  	v2 =	vld [tilespmem:s24+$0xFFFFFFB0]  }
0x39: {  	v0 =	vadd.f32 v3, v0  }
0x3a: {  	v3 =	vld [tilespmem:s24+$0xFFFFFFC0]  }
0x3b: {  	v0 =	vadd.f32 v1, v0  }
0x3c: {  	v1 =	vld [tilespmem:s24+$0xFFFFFFD0]  }
0x3d: {  	v0 =	vadd.f32 v2, v0  }
0x3e: {  	v2 =	vld [tilespmem:s24+$0xFFFFFFE0]  }
0x3f: {  	v0 =	vadd.f32 v3, v0  }
0x40: {  	v3 =	vld [tilespmem:s24+$0xFFFFFFF0]  }
0x41: {  	v0 =	vadd.f32 v1, v0  }
0x42: {  	v1 =	vld [tilespmem:s24+$0x0]  }
0x43: {  	v0 =	vadd.f32 v2, v0  }
0x44: {  	v2 =	vld [tilespmem:s24+$0x10]  }
0x45: {  	v0 =	vadd.f32 v3, v0  }
0x46: {  	v3 =	vld [tilespmem:s24+$0x20]  }
0x47: {  	v0 =	vadd.f32 v1, v0  }
0x48: {  	v1 =	vld [tilespmem:s24+$0x30]  }
0x49: {  	v0 =	vadd.f32 v2, v0  }
0x4a: {  	v2 =	vld [tilespmem:s24+$0x40]  }
0x4b: {  	v0 =	vadd.f32 v3, v0  }
0x4c: {  	v3 =	vld [tilespmem:s24+$0x50]  }
0x4d: {  	v0 =	vadd.f32 v1, v0  }
0x4e: {  	v1 =	vld [tilespmem:s24+$0x60]  }
0x4f: {  	v0 =	vadd.f32 v2, v0  }
0x50: {  	v2 =	vld [tilespmem:s24+$0x70]  }
0x51: {  	v0 =	vadd.f32 v3, v0  }
0x52: {  	v3 =	vld [tilespmem:s24+$0x80]  }
0x53: {  	v0 =	vadd.f32 v1, v0  }
0x54: {  	v1 =	vld [tilespmem:s24+$0x90]  }
0x55: {  	v0 =	vadd.f32 v2, v0;
	_ =	sdelay $0x1  }
0x56: {  	v0 =	vadd.f32 v3, v0;
	_ =	sdelay $0x1  }
.Ltmp0:
0x57: {  	v0 =	vadd.f32 v1, v0;
	(pc) =	sbr.rel @p0 .LBB2_3-.Ltmp0, $4  }
0x58: {  	s26 =	sshra.s32 s23, $0x2;
	s23 =	smov.u32 s25  }
0x59: {  	s24 =	sadd.s32 $0x140, s24;
	[tilespmem:s26+$0x2A80] =	vst v0  }
0x5a: {  	v0 =	vld [tilespmem:s24+$0xFFFFFF70]  }
0x5b: {  	s25 =	sadd.s32 $0x40, s25;
	v1 =	vld [tilespmem:s24+$0xFFFFFF60]  }
0x5c: {  	_ = 	snop  }
0x5d: {  	v2 =	vld [tilespmem:s24+$0xFFFFFF80];
	_ =	sdelay $0x1  }
0x5e: {  	v3 =	vld [tilespmem:s24+$0xFFFFFF90]  }
0x5f: {  	v0 =	vadd.f32 v0, v1  }
0x60: {  	v48 =	vld [tilespmem:s24+$0xFFFFFFA0]  }
0x61: {  	v0 =	vadd.f32 v2, v0  }
0x62: {  	v49 =	vld [tilespmem:s24+$0xFFFFFFB0]  }
0x63: {  	v0 =	vadd.f32 v3, v0  }
0x64: {  	v50 =	vld [tilespmem:s24+$0xFFFFFFC0]  }
0x65: {  	v0 =	vadd.f32 v48, v0  }
0x66: {  	v51 =	vld [tilespmem:s24+$0xFFFFFFD0]  }
0x67: {  	v0 =	vadd.f32 v49, v0  }
0x68: {  	v52 =	vld [tilespmem:s24+$0xFFFFFFE0]  }
0x69: {  	v0 =	vadd.f32 v50, v0  }
0x6a: {  	v53 =	vld [tilespmem:s24+$0xFFFFFFF0]  }
0x6b: {  	v0 =	vadd.f32 v51, v0  }
0x6c: {  	v54 =	vld [tilespmem:s24+$0x0]  }
0x6d: {  	v0 =	vadd.f32 v52, v0  }
0x6e: {  	v55 =	vld [tilespmem:s24+$0x10]  }
0x6f: {  	v0 =	vadd.f32 v53, v0  }
0x70: {  	v56 =	vld [tilespmem:s24+$0x20]  }
0x71: {  	v0 =	vadd.f32 v54, v0  }
0x72: {  	v57 =	vld [tilespmem:s24+$0x30]  }
0x73: {  	v0 =	vadd.f32 v55, v0  }
0x74: {  	v58 =	vld [tilespmem:s24+$0x40]  }
0x75: {  	v0 =	vadd.f32 v56, v0  }
0x76: {  	v59 =	vld [tilespmem:s24+$0x50]  }
0x77: {  	v0 =	vadd.f32 v57, v0  }
0x78: {  	v60 =	vld [tilespmem:s24+$0x60]  }
0x79: {  	v0 =	vadd.f32 v58, v0  }
0x7a: {  	v61 =	vld [tilespmem:s24+$0x70]  }
0x7b: {  	v0 =	vadd.f32 v59, v0  }
0x7c: {  	v62 =	vld [tilespmem:s24+$0x80]  }
0x7d: {  	v0 =	vadd.f32 v60, v0  }
0x7e: {  	v63 =	vld [tilespmem:s24+$0x90]  }
0x7f: {  	v0 =	vadd.f32 v61, v0;
	_ =	sdelay $0x1  }
0x80: {  	v0 =	vadd.f32 v62, v0;
	_ =	sdelay $0x1  }
0x81: {  	s21 =	sadd.s32 $0x1, s21;
	v0 =	vadd.f32 v63, v0  }
0x82: {  	s23 =	sshra.s32 s23, $0x2;
	s22 =	sshll.u32 s22, $0x1;
	p0 =	sne.s32 s21, $0x4  }
.Ltmp1:
0x83: {  	s22 =	sadd.s32 s5, s22;
	[tilespmem:s23+$0x2A80] =	vst v0;
	(pc) =	sbr.rel @p0 .LBB2_2-.Ltmp1, $4  }
0x84: {  	[hbm4b:s22+s3] =	stream.linear.scatter [tilespmem:s19], [sflag:$0x2], $0x200, $0x38;
	[tilespmem:$0x2C80] =	vst v63  }
0x85: {  	_ =	swait.ge [sflag:s8], $0x200  }
0x86: {  	[sflag:s8] =	ssyncset.done $0x0  }
0x87: {  	[sflag:s8] =	ssyncadd.s32 $0xFFFFFE00  }
0x88: {  	s20 =	sadd.s32 $0x1, s20  }
0x89: {  	p0 =	sne.s32 s20, s7  }
.Ltmp2:
0x8a: {  	_ = 	snop;
	(pc) =	sbr.rel @p0 .LBB2_1-.Ltmp2, $1  }
0x8b: {  	_ =	sdelay $0x3  }
0x8c: {  	_ =	sfence.sel $0x180000  }
0x8d: {  	[bflag:$0x0] =	sbarrier.arrive $0xFFFF  }
0x8e: {  	p0 =	sne.s32 s4, $0x0;
	_ =	strace $0x90000047  }
0x8f: {  	s0 =	sadd.s32 @!p0 $0x100000, s0;
	[bflag:$0x2] =	sbarrier.arrive $0xFFFF  }
0x90: {  	[sflag:s0] =	ssyncadd.tile.s32 @!p0 $0x1;
	_ =	shalt  }
.Lfunc_end2:
_tile_overlayer_lowered:
.L_overlay_start_2:
0x91: {  	(tag) =	ssettag $0x2  }
0x92: {  	s0 =	rddreg [dreg:$0x0];
	s2 =	stileid.u32  }
0x93: {  	s1 =	rddreg [dreg:$0x1];
	p0 =	sne.s32 s2, $0x0  }
0x94: {  	s3 =	rddreg [dreg:$0x2];
	[bflag:$0x3] =	sbarrier.arrive $0xFFFF;
	s2 =	simm.s32 @!p0 $0x1C02  }
0x95: {  	[timem:s3], [sflag:s2] =	dma.local @!p0 [hbm:s0], s1  }
0x96: {  	s0 =	simm.s32 @!p0 $0x2  }
0x97: {  	_ =	swait.ge @!p0 [sflag:s0], s1  }
0x98: {  	s1 =	ssub.s32 @!p0 $0x0, s1;
	[sflag:s0] =	ssyncset.done @!p0 $0x0  }
0x99: {  	[sflag:s0] =	ssyncadd.s32 @!p0 s1  }
0x9a: {  	[bflag:$0x3] =	sbarrier.arrive $0xFFFF  }
0x9b: {  	_ =	shalt  }

</sc_bundles>
